<compile_context>
chip_gen: v7x
topology: tpu7x:2x2x1
jax: 0.10.2.dev20260603
libtpu: 0.0.44.dev20260713+nightly
codegen_flags: <defaults>
</compile_context>

<pallas_src>
import functools

import jax
import jax.numpy as jnp
from jax import lax
from jax.experimental import pallas as pl
from jax.experimental.pallas import tpu as pltpu
from jax.experimental.pallas import tpu_sc as plsc

_NSUB = 16


def _build_flip_planes(rows_all, cols_all, T, S):
    L2 = rows_all.shape[0]
    L = L2 // 2
    N = T * S
    SLAB = N // _NSUB
    mesh = plsc.VectorSubcoreMesh(core_axis_name="c", subcore_axis_name="s")

    RPS = T // _NSUB

    @functools.partial(
        pl.kernel,
        out_type=jax.ShapeDtypeStruct((2, T, S), jnp.int32),
        mesh=mesh,
        scratch_types=[
            pltpu.VMEM((L,), jnp.int32),
            pltpu.VMEM((L,), jnp.int32),
            pltpu.VMEM((RPS, S), jnp.int32),
        ],
        compiler_params=pltpu.CompilerParams(needs_layout_passes=False),
    )
    def flip_kernel(rows_hbm, cols_hbm, flip_hbm, rows_v, cols_v, slab_v):
        c = lax.axis_index("c")
        s = lax.axis_index("s")
        zeros16 = jnp.zeros((16,), jnp.int32)
        ones16 = jnp.ones((16,), jnp.int32)

        @plsc.parallel_loop(0, RPS, step=1, unroll=2)
        def _zero(r):
            for j in range(0, S, 16):
                slab_v[r, pl.ds(j, 16)] = zeros16

        pltpu.sync_copy(rows_hbm.at[pl.ds(c * L, L)], rows_v)
        pltpu.sync_copy(cols_hbm.at[pl.ds(c * L, L)], cols_v)

        lo = s * SLAB

        @plsc.parallel_loop(0, L, step=16, unroll=4)
        def _scat(i):
            off = pl.multiple_of(i, 16)
            fi = rows_v[pl.ds(off, 16)] * S + cols_v[pl.ds(off, 16)]
            rel = fi - lo
            msk = (rel >= 0) & (rel < SLAB)
            loc = jnp.where(msk, rel, 0)
            plsc.store_scatter(slab_v, [loc >> 9, loc & (S - 1)], ones16,
                               mask=msk)

        pltpu.sync_copy(slab_v, flip_hbm.at[c, pl.ds(s * RPS, RPS)])

    return flip_kernel(rows_all, cols_all)


def _apply_flip(m8, flip):
    B, T, S = m8.shape

    def body(m_ref, f_ref, o_ref):
        fl = ((f_ref[0] ^ f_ref[1]) != 0).astype(jnp.uint8)
        o_ref[...] = m_ref[...] ^ fl[None]

    return pl.pallas_call(
        body,
        grid=(B,),
        in_specs=[
            pl.BlockSpec((1, T, S), lambda b: (b, 0, 0)),
            pl.BlockSpec((2, T, S), lambda b: (0, 0, 0)),
        ],
        out_specs=pl.BlockSpec((1, T, S), lambda b: (b, 0, 0)),
        out_shape=jax.ShapeDtypeStruct((B, T, S), jnp.uint8),
    )(m8, flip)


def kernel(prediction, target, target_mask, masked_rows, masked_cols,
           unmasked_rows, unmasked_cols):
    T, S = target_mask.shape[1], target_mask.shape[2]
    rows_all = jnp.concatenate([masked_rows, unmasked_rows])
    cols_all = jnp.concatenate([masked_cols, unmasked_cols])
    flip = _build_flip_planes(rows_all, cols_all, T, S)
    m8 = target_mask.astype(jnp.uint8)
    m = _apply_flip(m8, flip).astype(jnp.bool_)
    return (prediction, target, m)

# --- scband reference (transcript-rebuilt; emitter-appended) ---
"""Pipeline reference for scband-invert-masked-tracks-52767968198769 (READ-ONLY COPY).

The authoritative reference and input builder live on the scoring server;
editing this copy changes nothing except your own understanding.
"""

import jax, jax.numpy as jnp
import numpy as np

B, T, S = 16, 2048, 512
L = 8192

def setup_inputs(seed: int = 0) -> dict:
    key = jax.random.key(seed)
    ks = jax.random.split(key, 7)
    prediction = jax.random.normal(ks[0], (B, T, S), dtype=jnp.float32)
    target = jax.random.normal(ks[1], (B, T, S), dtype=jnp.float32)
    target_mask = jax.random.randint(ks[2], (B, T, S), 0, 2).astype(jnp.bool_)
    masked_rows = jax.random.randint(ks[3], (L,), 0, T, dtype=jnp.int32)
    masked_cols = jax.random.randint(ks[4], (L,), 0, S, dtype=jnp.int32)
    unmasked_rows = jax.random.randint(ks[5], (L,), 0, T, dtype=jnp.int32)
    unmasked_cols = jax.random.randint(ks[6], (L,), 0, S, dtype=jnp.int32)
    return {
        "prediction": prediction,
        "target": target,
        "target_mask": target_mask,
        "masked_rows": masked_rows,
        "masked_cols": masked_cols,
        "unmasked_rows": unmasked_rows,
        "unmasked_cols": unmasked_cols,
    }

def reference(prediction, target, target_mask, masked_rows, masked_cols, unmasked_rows, unmasked_cols):
    # InvertMaskedTracks: transform_predictions=False, transform_targets=False, transform_masks=True
    # F(mask): clone, then for masked_measured ids gather -> logical_not -> scatter-overwrite,
    # then for unmasked_measured ids gather (from updated copy) -> logical_not -> scatter-overwrite.
    m = target_mask
    # advanced indexing m[:, rows, cols] broadcasts to [B, L] (batch ids repeated, track/time ids tiled)
    g1 = m[:, masked_rows, masked_cols]
    m = m.at[:, masked_rows, masked_cols].set(jnp.logical_not(g1))
    g2 = m[:, unmasked_rows, unmasked_cols]
    m = m.at[:, unmasked_rows, unmasked_cols].set(jnp.logical_not(g2))
    # predictions and targets pass through unchanged
    return (prediction, target, m)

if __name__ == "__main__":
    import jax
    _d = setup_inputs()
    print(jax.jit(kernel)(*tuple(_d.values())))

</pallas_src>

<mosaic_0001>
#map = affine_map<(d0, d1) -> (0)>
#map1 = affine_map<(d0, d1) -> (0, 0, 0)>
module attributes {stable_mosaic.version = 14 : i64} {
  func.func @flip_kernel(%arg0: i32, %arg1: i32, %arg2: memref<16384xi32, #tpu.memory_space<hbm>>, %arg3: memref<16384xi32, #tpu.memory_space<hbm>>, %arg4: memref<2x2048x512xi32, #tpu.memory_space<hbm>>, %arg5: memref<8192xi32, #tpu.memory_space<vmem>>, %arg6: memref<8192xi32, #tpu.memory_space<vmem>>, %arg7: memref<128x512xi32, #tpu.memory_space<vmem>>) attributes {dimension_semantics = [#tpu.dimension_semantics<core_parallel>, #tpu.dimension_semantics<subcore_parallel>], iteration_bounds = array<i64: 2, 16>, scalar_prefetch = 0 : i64, scratch_operands = 3 : i64, tpu.core_type = #tpu.core_type<sc_vector_subcore>, window_params = [{transform_indices = #map}, {transform_indices = #map}, {transform_indices = #map1}]} {
    %broadcast_in_dim3A = arith.constant 0 : i32
    %broadcast_in_dim3A_0 = vector.broadcast %broadcast_in_dim3A : i32 to vector<16xi32>
    %broadcast_in_dim3A_1 = arith.constant 1 : i32
    %broadcast_in_dim3A_2 = vector.broadcast %broadcast_in_dim3A_1 : i32 to vector<16xi32>
    %parallel_loop3A = arith.constant 0 : i32
    %parallel_loop3A_3 = arith.constant 128 : i32
    %parallel_loop3A_4 = arith.constant 1 : i32
    scf.for %parallel_loop3A_15 = %parallel_loop3A to %parallel_loop3A_3 step %parallel_loop3A_4  : i32 {
      %parallel_loop3A_16 = arith.index_cast %parallel_loop3A_15 : i32 to index
      %parallel_loop3A_17 = arith.constant 0 : index
      %parallel_loop3A_18 = tpu.vector_load %arg7[%parallel_loop3A_16, %parallel_loop3A_17] {strides = array<i32>} : memref<128x512xi32, #tpu.memory_space<vmem>>, vector<16xi32>,
      tpu.vector_store %arg7[%parallel_loop3A_16, %parallel_loop3A_17], %broadcast_in_dim3A_0 {strides = array<i32>} : memref<128x512xi32, #tpu.memory_space<vmem>>, vector<16xi32>,
      %parallel_loop3A_19 = arith.index_cast %parallel_loop3A_15 : i32 to index
      %parallel_loop3A_20 = arith.constant 16 : index
      %parallel_loop3A_21 = tpu.vector_load %arg7[%parallel_loop3A_19, %parallel_loop3A_20] {strides = array<i32>} : memref<128x512xi32, #tpu.memory_space<vmem>>, vector<16xi32>,
      tpu.vector_store %arg7[%parallel_loop3A_19, %parallel_loop3A_20], %broadcast_in_dim3A_0 {strides = array<i32>} : memref<128x512xi32, #tpu.memory_space<vmem>>, vector<16xi32>,
      %parallel_loop3A_22 = arith.index_cast %parallel_loop3A_15 : i32 to index
      %parallel_loop3A_23 = arith.constant 32 : index
      %parallel_loop3A_24 = tpu.vector_load %arg7[%parallel_loop3A_22, %parallel_loop3A_23] {strides = array<i32>} : memref<128x512xi32, #tpu.memory_space<vmem>>, vector<16xi32>,
      tpu.vector_store %arg7[%parallel_loop3A_22, %parallel_loop3A_23], %broadcast_in_dim3A_0 {strides = array<i32>} : memref<128x512xi32, #tpu.memory_space<vmem>>, vector<16xi32>,
      %parallel_loop3A_25 = arith.index_cast %parallel_loop3A_15 : i32 to index
      %parallel_loop3A_26 = arith.constant 48 : index
      %parallel_loop3A_27 = tpu.vector_load %arg7[%parallel_loop3A_25, %parallel_loop3A_26] {strides = array<i32>} : memref<128x512xi32, #tpu.memory_space<vmem>>, vector<16xi32>,
      tpu.vector_store %arg7[%parallel_loop3A_25, %parallel_loop3A_26], %broadcast_in_dim3A_0 {strides = array<i32>} : memref<128x512xi32, #tpu.memory_space<vmem>>, vector<16xi32>,
      %parallel_loop3A_28 = arith.index_cast %parallel_loop3A_15 : i32 to index
      %parallel_loop3A_29 = arith.constant 64 : index
      %parallel_loop3A_30 = tpu.vector_load %arg7[%parallel_loop3A_28, %parallel_loop3A_29] {strides = array<i32>} : memref<128x512xi32, #tpu.memory_space<vmem>>, vector<16xi32>,
      tpu.vector_store %arg7[%parallel_loop3A_28, %parallel_loop3A_29], %broadcast_in_dim3A_0 {strides = array<i32>} : memref<128x512xi32, #tpu.memory_space<vmem>>, vector<16xi32>,
      %parallel_loop3A_31 = arith.index_cast %parallel_loop3A_15 : i32 to index
      %parallel_loop3A_32 = arith.constant 80 : index
      %parallel_loop3A_33 = tpu.vector_load %arg7[%parallel_loop3A_31, %parallel_loop3A_32] {strides = array<i32>} : memref<128x512xi32, #tpu.memory_space<vmem>>, vector<16xi32>,
      tpu.vector_store %arg7[%parallel_loop3A_31, %parallel_loop3A_32], %broadcast_in_dim3A_0 {strides = array<i32>} : memref<128x512xi32, #tpu.memory_space<vmem>>, vector<16xi32>,
      %parallel_loop3A_34 = arith.index_cast %parallel_loop3A_15 : i32 to index
      %parallel_loop3A_35 = arith.constant 96 : index
      %parallel_loop3A_36 = tpu.vector_load %arg7[%parallel_loop3A_34, %parallel_loop3A_35] {strides = array<i32>} : memref<128x512xi32, #tpu.memory_space<vmem>>, vector<16xi32>,
      tpu.vector_store %arg7[%parallel_loop3A_34, %parallel_loop3A_35], %broadcast_in_dim3A_0 {strides = array<i32>} : memref<128x512xi32, #tpu.memory_space<vmem>>, vector<16xi32>,
      %parallel_loop3A_37 = arith.index_cast %parallel_loop3A_15 : i32 to index
      %parallel_loop3A_38 = arith.constant 112 : index
      %parallel_loop3A_39 = tpu.vector_load %arg7[%parallel_loop3A_37, %parallel_loop3A_38] {strides = array<i32>} : memref<128x512xi32, #tpu.memory_space<vmem>>, vector<16xi32>,
      tpu.vector_store %arg7[%parallel_loop3A_37, %parallel_loop3A_38], %broadcast_in_dim3A_0 {strides = array<i32>} : memref<128x512xi32, #tpu.memory_space<vmem>>, vector<16xi32>,
      %parallel_loop3A_40 = arith.index_cast %parallel_loop3A_15 : i32 to index
      %parallel_loop3A_41 = arith.constant 128 : index
      %parallel_loop3A_42 = tpu.vector_load %arg7[%parallel_loop3A_40, %parallel_loop3A_41] {strides = array<i32>} : memref<128x512xi32, #tpu.memory_space<vmem>>, vector<16xi32>,
      tpu.vector_store %arg7[%parallel_loop3A_40, %parallel_loop3A_41], %broadcast_in_dim3A_0 {strides = array<i32>} : memref<128x512xi32, #tpu.memory_space<vmem>>, vector<16xi32>,
      %parallel_loop3A_43 = arith.index_cast %parallel_loop3A_15 : i32 to index
      %parallel_loop3A_44 = arith.constant 144 : index
      %parallel_loop3A_45 = tpu.vector_load %arg7[%parallel_loop3A_43, %parallel_loop3A_44] {strides = array<i32>} : memref<128x512xi32, #tpu.memory_space<vmem>>, vector<16xi32>,
      tpu.vector_store %arg7[%parallel_loop3A_43, %parallel_loop3A_44], %broadcast_in_dim3A_0 {strides = array<i32>} : memref<128x512xi32, #tpu.memory_space<vmem>>, vector<16xi32>,
      %parallel_loop3A_46 = arith.index_cast %parallel_loop3A_15 : i32 to index
      %parallel_loop3A_47 = arith.constant 160 : index
      %parallel_loop3A_48 = tpu.vector_load %arg7[%parallel_loop3A_46, %parallel_loop3A_47] {strides = array<i32>} : memref<128x512xi32, #tpu.memory_space<vmem>>, vector<16xi32>,
      tpu.vector_store %arg7[%parallel_loop3A_46, %parallel_loop3A_47], %broadcast_in_dim3A_0 {strides = array<i32>} : memref<128x512xi32, #tpu.memory_space<vmem>>, vector<16xi32>,
      %parallel_loop3A_49 = arith.index_cast %parallel_loop3A_15 : i32 to index
      %parallel_loop3A_50 = arith.constant 176 : index
      %parallel_loop3A_51 = tpu.vector_load %arg7[%parallel_loop3A_49, %parallel_loop3A_50] {strides = array<i32>} : memref<128x512xi32, #tpu.memory_space<vmem>>, vector<16xi32>,
      tpu.vector_store %arg7[%parallel_loop3A_49, %parallel_loop3A_50], %broadcast_in_dim3A_0 {strides = array<i32>} : memref<128x512xi32, #tpu.memory_space<vmem>>, vector<16xi32>,
      %parallel_loop3A_52 = arith.index_cast %parallel_loop3A_15 : i32 to index
      %parallel_loop3A_53 = arith.constant 192 : index
      %parallel_loop3A_54 = tpu.vector_load %arg7[%parallel_loop3A_52, %parallel_loop3A_53] {strides = array<i32>} : memref<128x512xi32, #tpu.memory_space<vmem>>, vector<16xi32>,
      tpu.vector_store %arg7[%parallel_loop3A_52, %parallel_loop3A_53], %broadcast_in_dim3A_0 {strides = array<i32>} : memref<128x512xi32, #tpu.memory_space<vmem>>, vector<16xi32>,
      %parallel_loop3A_55 = arith.index_cast %parallel_loop3A_15 : i32 to index
      %parallel_loop3A_56 = arith.constant 208 : index
      %parallel_loop3A_57 = tpu.vector_load %arg7[%parallel_loop3A_55, %parallel_loop3A_56] {strides = array<i32>} : memref<128x512xi32, #tpu.memory_space<vmem>>, vector<16xi32>,
      tpu.vector_store %arg7[%parallel_loop3A_55, %parallel_loop3A_56], %broadcast_in_dim3A_0 {strides = array<i32>} : memref<128x512xi32, #tpu.memory_space<vmem>>, vector<16xi32>,
      %parallel_loop3A_58 = arith.index_cast %parallel_loop3A_15 : i32 to index
      %parallel_loop3A_59 = arith.constant 224 : index
      %parallel_loop3A_60 = tpu.vector_load %arg7[%parallel_loop3A_58, %parallel_loop3A_59] {strides = array<i32>} : memref<128x512xi32, #tpu.memory_space<vmem>>, vector<16xi32>,
      tpu.vector_store %arg7[%parallel_loop3A_58, %parallel_loop3A_59], %broadcast_in_dim3A_0 {strides = array<i32>} : memref<128x512xi32, #tpu.memory_space<vmem>>, vector<16xi32>,
      %parallel_loop3A_61 = arith.index_cast %parallel_loop3A_15 : i32 to index
      %parallel_loop3A_62 = arith.constant 240 : index
      %parallel_loop3A_63 = tpu.vector_load %arg7[%parallel_loop3A_61, %parallel_loop3A_62] {strides = array<i32>} : memref<128x512xi32, #tpu.memory_space<vmem>>, vector<16xi32>,
      tpu.vector_store %arg7[%parallel_loop3A_61, %parallel_loop3A_62], %broadcast_in_dim3A_0 {strides = array<i32>} : memref<128x512xi32, #tpu.memory_space<vmem>>, vector<16xi32>,
      %parallel_loop3A_64 = arith.index_cast %parallel_loop3A_15 : i32 to index
      %parallel_loop3A_65 = arith.constant 256 : index
      %parallel_loop3A_66 = tpu.vector_load %arg7[%parallel_loop3A_64, %parallel_loop3A_65] {strides = array<i32>} : memref<128x512xi32, #tpu.memory_space<vmem>>, vector<16xi32>,
      tpu.vector_store %arg7[%parallel_loop3A_64, %parallel_loop3A_65], %broadcast_in_dim3A_0 {strides = array<i32>} : memref<128x512xi32, #tpu.memory_space<vmem>>, vector<16xi32>,
      %parallel_loop3A_67 = arith.index_cast %parallel_loop3A_15 : i32 to index
      %parallel_loop3A_68 = arith.constant 272 : index
      %parallel_loop3A_69 = tpu.vector_load %arg7[%parallel_loop3A_67, %parallel_loop3A_68] {strides = array<i32>} : memref<128x512xi32, #tpu.memory_space<vmem>>, vector<16xi32>,
      tpu.vector_store %arg7[%parallel_loop3A_67, %parallel_loop3A_68], %broadcast_in_dim3A_0 {strides = array<i32>} : memref<128x512xi32, #tpu.memory_space<vmem>>, vector<16xi32>,
      %parallel_loop3A_70 = arith.index_cast %parallel_loop3A_15 : i32 to index
      %parallel_loop3A_71 = arith.constant 288 : index
      %parallel_loop3A_72 = tpu.vector_load %arg7[%parallel_loop3A_70, %parallel_loop3A_71] {strides = array<i32>} : memref<128x512xi32, #tpu.memory_space<vmem>>, vector<16xi32>,
      tpu.vector_store %arg7[%parallel_loop3A_70, %parallel_loop3A_71], %broadcast_in_dim3A_0 {strides = array<i32>} : memref<128x512xi32, #tpu.memory_space<vmem>>, vector<16xi32>,
      %parallel_loop3A_73 = arith.index_cast %parallel_loop3A_15 : i32 to index
      %parallel_loop3A_74 = arith.constant 304 : index
      %parallel_loop3A_75 = tpu.vector_load %arg7[%parallel_loop3A_73, %parallel_loop3A_74] {strides = array<i32>} : memref<128x512xi32, #tpu.memory_space<vmem>>, vector<16xi32>,
      tpu.vector_store %arg7[%parallel_loop3A_73, %parallel_loop3A_74], %broadcast_in_dim3A_0 {strides = array<i32>} : memref<128x512xi32, #tpu.memory_space<vmem>>, vector<16xi32>,
      %parallel_loop3A_76 = arith.index_cast %parallel_loop3A_15 : i32 to index
      %parallel_loop3A_77 = arith.constant 320 : index
      %parallel_loop3A_78 = tpu.vector_load %arg7[%parallel_loop3A_76, %parallel_loop3A_77] {strides = array<i32>} : memref<128x512xi32, #tpu.memory_space<vmem>>, vector<16xi32>,
      tpu.vector_store %arg7[%parallel_loop3A_76, %parallel_loop3A_77], %broadcast_in_dim3A_0 {strides = array<i32>} : memref<128x512xi32, #tpu.memory_space<vmem>>, vector<16xi32>,
      %parallel_loop3A_79 = arith.index_cast %parallel_loop3A_15 : i32 to index
      %parallel_loop3A_80 = arith.constant 336 : index
      %parallel_loop3A_81 = tpu.vector_load %arg7[%parallel_loop3A_79, %parallel_loop3A_80] {strides = array<i32>} : memref<128x512xi32, #tpu.memory_space<vmem>>, vector<16xi32>,
      tpu.vector_store %arg7[%parallel_loop3A_79, %parallel_loop3A_80], %broadcast_in_dim3A_0 {strides = array<i32>} : memref<128x512xi32, #tpu.memory_space<vmem>>, vector<16xi32>,
      %parallel_loop3A_82 = arith.index_cast %parallel_loop3A_15 : i32 to index
      %parallel_loop3A_83 = arith.constant 352 : index
      %parallel_loop3A_84 = tpu.vector_load %arg7[%parallel_loop3A_82, %parallel_loop3A_83] {strides = array<i32>} : memref<128x512xi32, #tpu.memory_space<vmem>>, vector<16xi32>,
      tpu.vector_store %arg7[%parallel_loop3A_82, %parallel_loop3A_83], %broadcast_in_dim3A_0 {strides = array<i32>} : memref<128x512xi32, #tpu.memory_space<vmem>>, vector<16xi32>,
      %parallel_loop3A_85 = arith.index_cast %parallel_loop3A_15 : i32 to index
      %parallel_loop3A_86 = arith.constant 368 : index
      %parallel_loop3A_87 = tpu.vector_load %arg7[%parallel_loop3A_85, %parallel_loop3A_86] {strides = array<i32>} : memref<128x512xi32, #tpu.memory_space<vmem>>, vector<16xi32>,
      tpu.vector_store %arg7[%parallel_loop3A_85, %parallel_loop3A_86], %broadcast_in_dim3A_0 {strides = array<i32>} : memref<128x512xi32, #tpu.memory_space<vmem>>, vector<16xi32>,
      %parallel_loop3A_88 = arith.index_cast %parallel_loop3A_15 : i32 to index
      %parallel_loop3A_89 = arith.constant 384 : index
      %parallel_loop3A_90 = tpu.vector_load %arg7[%parallel_loop3A_88, %parallel_loop3A_89] {strides = array<i32>} : memref<128x512xi32, #tpu.memory_space<vmem>>, vector<16xi32>,
      tpu.vector_store %arg7[%parallel_loop3A_88, %parallel_loop3A_89], %broadcast_in_dim3A_0 {strides = array<i32>} : memref<128x512xi32, #tpu.memory_space<vmem>>, vector<16xi32>,
      %parallel_loop3A_91 = arith.index_cast %parallel_loop3A_15 : i32 to index
      %parallel_loop3A_92 = arith.constant 400 : index
      %parallel_loop3A_93 = tpu.vector_load %arg7[%parallel_loop3A_91, %parallel_loop3A_92] {strides = array<i32>} : memref<128x512xi32, #tpu.memory_space<vmem>>, vector<16xi32>,
      tpu.vector_store %arg7[%parallel_loop3A_91, %parallel_loop3A_92], %broadcast_in_dim3A_0 {strides = array<i32>} : memref<128x512xi32, #tpu.memory_space<vmem>>, vector<16xi32>,
      %parallel_loop3A_94 = arith.index_cast %parallel_loop3A_15 : i32 to index
      %parallel_loop3A_95 = arith.constant 416 : index
      %parallel_loop3A_96 = tpu.vector_load %arg7[%parallel_loop3A_94, %parallel_loop3A_95] {strides = array<i32>} : memref<128x512xi32, #tpu.memory_space<vmem>>, vector<16xi32>,
      tpu.vector_store %arg7[%parallel_loop3A_94, %parallel_loop3A_95], %broadcast_in_dim3A_0 {strides = array<i32>} : memref<128x512xi32, #tpu.memory_space<vmem>>, vector<16xi32>,
      %parallel_loop3A_97 = arith.index_cast %parallel_loop3A_15 : i32 to index
      %parallel_loop3A_98 = arith.constant 432 : index
      %parallel_loop3A_99 = tpu.vector_load %arg7[%parallel_loop3A_97, %parallel_loop3A_98] {strides = array<i32>} : memref<128x512xi32, #tpu.memory_space<vmem>>, vector<16xi32>,
      tpu.vector_store %arg7[%parallel_loop3A_97, %parallel_loop3A_98], %broadcast_in_dim3A_0 {strides = array<i32>} : memref<128x512xi32, #tpu.memory_space<vmem>>, vector<16xi32>,
      %parallel_loop3A_100 = arith.index_cast %parallel_loop3A_15 : i32 to index
      %parallel_loop3A_101 = arith.constant 448 : index
      %parallel_loop3A_102 = tpu.vector_load %arg7[%parallel_loop3A_100, %parallel_loop3A_101] {strides = array<i32>} : memref<128x512xi32, #tpu.memory_space<vmem>>, vector<16xi32>,
      tpu.vector_store %arg7[%parallel_loop3A_100, %parallel_loop3A_101], %broadcast_in_dim3A_0 {strides = array<i32>} : memref<128x512xi32, #tpu.memory_space<vmem>>, vector<16xi32>,
      %parallel_loop3A_103 = arith.index_cast %parallel_loop3A_15 : i32 to index
      %parallel_loop3A_104 = arith.constant 464 : index
      %parallel_loop3A_105 = tpu.vector_load %arg7[%parallel_loop3A_103, %parallel_loop3A_104] {strides = array<i32>} : memref<128x512xi32, #tpu.memory_space<vmem>>, vector<16xi32>,
      tpu.vector_store %arg7[%parallel_loop3A_103, %parallel_loop3A_104], %broadcast_in_dim3A_0 {strides = array<i32>} : memref<128x512xi32, #tpu.memory_space<vmem>>, vector<16xi32>,
      %parallel_loop3A_106 = arith.index_cast %parallel_loop3A_15 : i32 to index
      %parallel_loop3A_107 = arith.constant 480 : index
      %parallel_loop3A_108 = tpu.vector_load %arg7[%parallel_loop3A_106, %parallel_loop3A_107] {strides = array<i32>} : memref<128x512xi32, #tpu.memory_space<vmem>>, vector<16xi32>,
      tpu.vector_store %arg7[%parallel_loop3A_106, %parallel_loop3A_107], %broadcast_in_dim3A_0 {strides = array<i32>} : memref<128x512xi32, #tpu.memory_space<vmem>>, vector<16xi32>,
      %parallel_loop3A_109 = arith.index_cast %parallel_loop3A_15 : i32 to index
      %parallel_loop3A_110 = arith.constant 496 : index
      %parallel_loop3A_111 = tpu.vector_load %arg7[%parallel_loop3A_109, %parallel_loop3A_110] {strides = array<i32>} : memref<128x512xi32, #tpu.memory_space<vmem>>, vector<16xi32>,
      tpu.vector_store %arg7[%parallel_loop3A_109, %parallel_loop3A_110], %broadcast_in_dim3A_0 {strides = array<i32>} : memref<128x512xi32, #tpu.memory_space<vmem>>, vector<16xi32>,
    } {sc.loop_unroll_factor = 2 : i64, sc.parallel_access}
    %mul3A = arith.constant 8192 : i32
    %mul3A_5 = arith.muli %arg0, %mul3A : i32
    "tpu.region"() ({
      %run_scoped3A = tpu.sem_alloc : memref<!tpu.dma_semaphore, #tpu.memory_space<semaphore_mem>>
      %dma_start3A = tpu.memref_slice %arg2[%mul3A_5] : memref<16384xi32, #tpu.memory_space<hbm>> -> memref<8192xi32, #tpu.memory_space<hbm>>
      %dma_start3A_15 = tpu.memref_slice %arg2[%mul3A_5] : memref<16384xi32, #tpu.memory_space<hbm>> -> memref<8192xi32, #tpu.memory_space<hbm>>
      tpu.enqueue_dma source(%dma_start3A_15 : memref<8192xi32, #tpu.memory_space<hbm>>) target(%arg5 : memref<8192xi32, #tpu.memory_space<vmem>>) target_semaphore(%run_scoped3A : memref<!tpu.dma_semaphore, #tpu.memory_space<semaphore_mem>>)
      %dma_wait3A = tpu.memref_slice %arg2[%mul3A_5] : memref<16384xi32, #tpu.memory_space<hbm>> -> memref<8192xi32, #tpu.memory_space<hbm>>
      %dma_wait3A_16 = tpu.memref_slice %arg2[%mul3A_5] : memref<16384xi32, #tpu.memory_space<hbm>> -> memref<8192xi32, #tpu.memory_space<hbm>>
      tpu.wait_dma2 semaphore(%run_scoped3A : memref<!tpu.dma_semaphore, #tpu.memory_space<semaphore_mem>>) src(%dma_wait3A_16 : memref<8192xi32, #tpu.memory_space<hbm>>) dst(%arg5 : memref<8192xi32, #tpu.memory_space<vmem>>)
      tpu.yield
    }) : () -> ()
    %mul3A_6 = arith.constant 8192 : i32
    %mul3A_7 = arith.muli %arg0, %mul3A_6 : i32
    "tpu.region"() ({
      %run_scoped3A = tpu.sem_alloc : memref<!tpu.dma_semaphore, #tpu.memory_space<semaphore_mem>>
      %dma_start3A = tpu.memref_slice %arg3[%mul3A_7] : memref<16384xi32, #tpu.memory_space<hbm>> -> memref<8192xi32, #tpu.memory_space<hbm>>
      %dma_start3A_15 = tpu.memref_slice %arg3[%mul3A_7] : memref<16384xi32, #tpu.memory_space<hbm>> -> memref<8192xi32, #tpu.memory_space<hbm>>
      tpu.enqueue_dma source(%dma_start3A_15 : memref<8192xi32, #tpu.memory_space<hbm>>) target(%arg6 : memref<8192xi32, #tpu.memory_space<vmem>>) target_semaphore(%run_scoped3A : memref<!tpu.dma_semaphore, #tpu.memory_space<semaphore_mem>>)
      %dma_wait3A = tpu.memref_slice %arg3[%mul3A_7] : memref<16384xi32, #tpu.memory_space<hbm>> -> memref<8192xi32, #tpu.memory_space<hbm>>
      %dma_wait3A_16 = tpu.memref_slice %arg3[%mul3A_7] : memref<16384xi32, #tpu.memory_space<hbm>> -> memref<8192xi32, #tpu.memory_space<hbm>>
      tpu.wait_dma2 semaphore(%run_scoped3A : memref<!tpu.dma_semaphore, #tpu.memory_space<semaphore_mem>>) src(%dma_wait3A_16 : memref<8192xi32, #tpu.memory_space<hbm>>) dst(%arg6 : memref<8192xi32, #tpu.memory_space<vmem>>)
      tpu.yield
    }) : () -> ()
    %mul3A_8 = arith.constant 65536 : i32
    %mul3A_9 = arith.muli %arg1, %mul3A_8 : i32
    %parallel_loop3A_10 = arith.constant 0 : i32
    %parallel_loop3A_11 = arith.constant 8192 : i32
    %parallel_loop3A_12 = arith.constant 16 : i32
    scf.for %parallel_loop3A_15 = %parallel_loop3A_10 to %parallel_loop3A_11 step %parallel_loop3A_12  : i32 {
      %parallel_loop3A_16 = tpu.assume_multiple %parallel_loop3A_15, 16 : i32
      %parallel_loop3A_17 = arith.index_cast %parallel_loop3A_16 : i32 to index
      %parallel_loop3A_18 = tpu.vector_load %arg5[%parallel_loop3A_17] {strides = array<i32>} : memref<8192xi32, #tpu.memory_space<vmem>>, vector<16xi32>,
      %parallel_loop3A_19 = arith.constant 512 : i32
      %parallel_loop3A_20 = vector.broadcast %parallel_loop3A_19 : i32 to vector<16xi32>
      %parallel_loop3A_21 = arith.muli %parallel_loop3A_18, %parallel_loop3A_20 : vector<16xi32>
      %parallel_loop3A_22 = arith.index_cast %parallel_loop3A_16 : i32 to index
      %parallel_loop3A_23 = tpu.vector_load %arg6[%parallel_loop3A_22] {strides = array<i32>} : memref<8192xi32, #tpu.memory_space<vmem>>, vector<16xi32>,
      %parallel_loop3A_24 = arith.addi %parallel_loop3A_21, %parallel_loop3A_23 : vector<16xi32>
      %parallel_loop3A_25 = vector.broadcast %mul3A_9 : i32 to vector<16xi32>
      %parallel_loop3A_26 = arith.subi %parallel_loop3A_24, %parallel_loop3A_25 : vector<16xi32>
      %parallel_loop3A_27 = arith.constant 0 : i32
      %parallel_loop3A_28 = vector.broadcast %parallel_loop3A_27 : i32 to vector<16xi32>
      %parallel_loop3A_29 = arith.cmpi sge, %parallel_loop3A_26, %parallel_loop3A_28 : vector<16xi32>
      %parallel_loop3A_30 = arith.constant 65536 : i32
      %parallel_loop3A_31 = vector.broadcast %parallel_loop3A_30 : i32 to vector<16xi32>
      %parallel_loop3A_32 = arith.cmpi slt, %parallel_loop3A_26, %parallel_loop3A_31 : vector<16xi32>
      %parallel_loop3A_33 = arith.andi %parallel_loop3A_29, %parallel_loop3A_32 : vector<16xi1>
      %parallel_loop3A_34 = arith.constant 0 : i32
      %parallel_loop3A_35 = vector.broadcast %parallel_loop3A_34 : i32 to vector<16xi32>
      %parallel_loop3A_36 = arith.select %parallel_loop3A_33, %parallel_loop3A_26, %parallel_loop3A_35 : vector<16xi1>, vector<16xi32>
      %parallel_loop3A_37 = arith.constant 9 : i32
      %parallel_loop3A_38 = vector.broadcast %parallel_loop3A_37 : i32 to vector<16xi32>
      %parallel_loop3A_39 = arith.shrsi %parallel_loop3A_36, %parallel_loop3A_38 : vector<16xi32>
      %parallel_loop3A_40 = arith.constant 511 : i32
      %parallel_loop3A_41 = vector.broadcast %parallel_loop3A_40 : i32 to vector<16xi32>
      %parallel_loop3A_42 = arith.andi %parallel_loop3A_36, %parallel_loop3A_41 : vector<16xi32>
      tpu.vector_store_idx %arg7[%parallel_loop3A_39, %parallel_loop3A_42], %broadcast_in_dim3A_2 masked %parallel_loop3A_33 : memref<128x512xi32, #tpu.memory_space<vmem>>[vector<16xi32>, vector<16xi32>], vector<16xi32>, vector<16xi1>
    } {sc.loop_unroll_factor = 4 : i64, sc.parallel_access}
    %mul3A_13 = arith.constant 128 : i32
    %mul3A_14 = arith.muli %arg1, %mul3A_13 : i32
    "tpu.region"() ({
      %run_scoped3A = tpu.sem_alloc : memref<!tpu.dma_semaphore, #tpu.memory_space<semaphore_mem>>
      %dma_start3A = arith.constant 0 : i32
      %dma_start3A_15 = tpu.memref_slice %arg4[%arg0, %mul3A_14, %dma_start3A] : memref<2x2048x512xi32, #tpu.memory_space<hbm>> -> memref<1x128x512xi32, #tpu.memory_space<hbm>>
      %dma_start3A_16 = tpu.memref_squeeze %dma_start3A_15 : memref<1x128x512xi32, #tpu.memory_space<hbm>> -> memref<128x512xi32, #tpu.memory_space<hbm>>
      %dma_start3A_17 = arith.constant 0 : i32
      %dma_start3A_18 = tpu.memref_slice %arg4[%arg0, %mul3A_14, %dma_start3A_17] : memref<2x2048x512xi32, #tpu.memory_space<hbm>> -> memref<1x128x512xi32, #tpu.memory_space<hbm>>
      %dma_start3A_19 = tpu.memref_squeeze %dma_start3A_18 : memref<1x128x512xi32, #tpu.memory_space<hbm>> -> memref<128x512xi32, #tpu.memory_space<hbm>>
      tpu.enqueue_dma source(%arg7 : memref<128x512xi32, #tpu.memory_space<vmem>>) target(%dma_start3A_19 : memref<128x512xi32, #tpu.memory_space<hbm>>) target_semaphore(%run_scoped3A : memref<!tpu.dma_semaphore, #tpu.memory_space<semaphore_mem>>)
      %dma_wait3A = arith.constant 0 : i32
      %dma_wait3A_20 = tpu.memref_slice %arg4[%arg0, %mul3A_14, %dma_wait3A] : memref<2x2048x512xi32, #tpu.memory_space<hbm>> -> memref<1x128x512xi32, #tpu.memory_space<hbm>>
      %dma_wait3A_21 = tpu.memref_squeeze %dma_wait3A_20 : memref<1x128x512xi32, #tpu.memory_space<hbm>> -> memref<128x512xi32, #tpu.memory_space<hbm>>
      %dma_wait3A_22 = arith.constant 0 : i32
      %dma_wait3A_23 = tpu.memref_slice %arg4[%arg0, %mul3A_14, %dma_wait3A_22] : memref<2x2048x512xi32, #tpu.memory_space<hbm>> -> memref<1x128x512xi32, #tpu.memory_space<hbm>>
      %dma_wait3A_24 = tpu.memref_squeeze %dma_wait3A_23 : memref<1x128x512xi32, #tpu.memory_space<hbm>> -> memref<128x512xi32, #tpu.memory_space<hbm>>
      tpu.wait_dma2 semaphore(%run_scoped3A : memref<!tpu.dma_semaphore, #tpu.memory_space<semaphore_mem>>) src(%arg7 : memref<128x512xi32, #tpu.memory_space<vmem>>) dst(%dma_wait3A_24 : memref<128x512xi32, #tpu.memory_space<hbm>>)
      tpu.yield
    }) : () -> ()
    return
  }
}

module attributes {stable_mosaic.version = 14 : i64} {
  func.func @body(%arg0: i32, %arg1: memref<1x2048x512xi8, #tpu.memory_space<vmem>>, %arg2: memref<2x2048x512xi32, #tpu.memory_space<vmem>>, %arg3: memref<1x2048x512xi8, #tpu.memory_space<vmem>>) attributes {dimension_semantics = [#tpu.dimension_semantics<arbitrary>], iteration_bounds = array<i64: 16>, scalar_prefetch = 0 : i64, scratch_operands = 0 : i64, tpu.core_type = #tpu.core_type<tc>, window_params = [{transform_indices = @transform_0, window_bounds = array<i64: 1, 2048, 512>}, {pipeline_mode = #tpu.pipeline_mode<synchronous>, transform_indices = @transform_1, window_bounds = array<i64: 2, 2048, 512>}, {transform_indices = @transform_2, window_bounds = array<i64: 1, 2048, 512>}]} {
    %get3A = arith.constant 0 : index
    %get3A_0 = arith.constant 0 : index
    %get3A_1 = arith.constant 0 : index
    %get3A_2 = vector.load %arg2[%get3A, %get3A_0, %get3A_1] : memref<2x2048x512xi32, #tpu.memory_space<vmem>>, vector<1x2048x512xi32>
    %get3A_3 = vector.shape_cast %get3A_2 : vector<1x2048x512xi32> to vector<2048x512xi32>
    %get3A_4 = arith.constant 1 : index
    %get3A_5 = arith.constant 0 : index
    %get3A_6 = arith.constant 0 : index
    %get3A_7 = vector.load %arg2[%get3A_4, %get3A_5, %get3A_6] : memref<2x2048x512xi32, #tpu.memory_space<vmem>>, vector<1x2048x512xi32>
    %get3A_8 = vector.shape_cast %get3A_7 : vector<1x2048x512xi32> to vector<2048x512xi32>
    %xor3A = arith.xori %get3A_3, %get3A_8 : vector<2048x512xi32>
    %ne3A = arith.constant 0 : i32
    %ne3A_9 = vector.broadcast %ne3A : i32 to vector<2048x512xi32>
    %ne3A_10 = arith.cmpi ne, %xor3A, %ne3A_9 : vector<2048x512xi32>
    %convert_element_type3A = arith.extui %ne3A_10 : vector<2048x512xi1> to vector<2048x512xi8>
    %get3A_11 = arith.constant 0 : index
    %get3A_12 = arith.constant 0 : index
    %get3A_13 = arith.constant 0 : index
    %get3A_14 = vector.load %arg1[%get3A_11, %get3A_12, %get3A_13] : memref<1x2048x512xi8, #tpu.memory_space<vmem>>, vector<1x2048x512xi8>
    %broadcast_in_dim3A = vector.shape_cast %convert_element_type3A : vector<2048x512xi8> to vector<1x2048x512xi8>
    %xor3A_15 = arith.xori %get3A_14, %broadcast_in_dim3A : vector<1x2048x512xi8>
    %swap3A = arith.constant 0 : index
    %swap3A_16 = arith.constant 0 : index
    %swap3A_17 = arith.constant 0 : index
    %swap3A_18 = vector.load %arg3[%swap3A, %swap3A_16, %swap3A_17] : memref<1x2048x512xi8, #tpu.memory_space<vmem>>, vector<1x2048x512xi8>
    tpu.vector_store %arg3[%swap3A, %swap3A_16, %swap3A_17], %xor3A_15 {strides = array<i32>} : memref<1x2048x512xi8, #tpu.memory_space<vmem>>, vector<1x2048x512xi8>,
    return
  }
  func.func @transform_0(%arg0: i32) -> (i32, i32, i32) {
    %c0_i32 = arith.constant 0 : i32
    %c0_i32_0 = arith.constant 0 : i32
    %c0_i32_1 = arith.constant 0 : i32
    return %arg0, %c0_i32, %c0_i32_0 : i32, i32, i32
  }
  func.func @transform_1(%arg0: i32) -> (i32, i32, i32) {
    %c0_i32 = arith.constant 0 : i32
    %c0_i32_0 = arith.constant 0 : i32
    %c0_i32_1 = arith.constant 0 : i32
    %c0_i32_2 = arith.constant 0 : i32
    return %c0_i32, %c0_i32_0, %c0_i32_1 : i32, i32, i32
  }
  func.func @transform_2(%arg0: i32) -> (i32, i32, i32) {
    %c0_i32 = arith.constant 0 : i32
    %c0_i32_0 = arith.constant 0 : i32
    %c0_i32_1 = arith.constant 0 : i32
    return %arg0, %c0_i32, %c0_i32_0 : i32, i32, i32
  }
}

</mosaic_0001>

<sc_bundles>
// kernel: kernel.4.cloned.1.call-start
scs
__scs_entry_jumppad:
0x0: {  	(pc) =	sbr.rel $0x88, $3  }
0x1: {  	(tag) =	ssettag $0x0;
	lr =	simm.s32 $0x1  }
0x2: {  	[smem:$0x3F9A] =	sst lr;
	_ =	strace $0xD0000000  }
0x3: {  	_ = 	snop  }
0x4: {  	_ = 	snop  }
0x5: {  	_ = 	snop  }
0x6: {  	_ = 	snop  }
0x7: {  	_ = 	snop  }
__scs_overlays_trampoline_lowered:
0x8: {  	[smem:$0x3FA9] =	sst s0  }
0x9: {  	[smem:$0x3FAA] =	sst s1  }
0xa: {  	[smem:$0x3FAB] =	sst s2  }
0xb: {  	[smem:$0x3FAC] =	sst s3  }
0xc: {  	[smem:$0x3FAD] =	sst s4  }
0xd: {  	[smem:$0x3FAE] =	sst s5  }
0xe: {  	[smem:$0x3FAF] =	sst s6  }
0xf: {  	[smem:$0x3FB0] =	sst s7  }
0x10: {  	[smem:$0x3FB1] =	sst s8  }
0x11: {  	[smem:$0x3FB2] =	sst s9;
	s0 =	simm.s32 @!p0 $0x0  }
0x12: {  	s1 =	sld [smem:$0x3F98];
	s0 =	simm.s32 @p0 $0x1  }
0x13: {  	[smem:$0x3FB3] =	sst s0;
	s0 =	simm.s32 @!p1 $0x0  }
0x14: {  	s2 =	sld [smem:$0x3F97];
	s0 =	simm.s32 @p1 $0x1  }
0x15: {  	[smem:$0x3FB4] =	sst s0;
	s0 =	simm.s32 @!p2 $0x0  }
0x16: {  	s3 =	sld [smem:$0x3FDB];
	s0 =	simm.s32 @p2 $0x1  }
0x17: {  	s4 =	simm.s32 $0x1BF5;
	[smem:$0x3FB6] =	sst s0  }
0x18: {  	s0 =	sld [smem:$0x3F99];
	_ =	swait.ge [sflag:s4], $0x0  }
0x19: {  	s7 =	sld [smem:$0x3F9A]  }
0x1a: {  	s8 =	sadd.s32 $0xFFFFE003, lr  }
0x1b: {  	s9 =	sadd.s32 $0xFFFFFEF7, lr;
	s5 =	simm.s32 $0xFFFFFFFF;
	p2 =	slt.u32 s8, $0xFFFFF086  }
0x1c: {  	p1 =	slt.u32 s9, $0xF7A;
	s5 =	simm.s32 @!p2 $0x0  }
0x1d: {  	s5 =	simm.s32 @p1 $0x1;
	p0 =	seq.s32 s7, s2  }
0x1e: {  	s7 =	smul.u32 @!p0 $0xF7A, s2;
	p2 =	seq.s32 @!p0 s5, $0x0  }
0x1f: {  	s9 =	smul.u32 $0xF7A, s1;
	s8 =	simm.s32 @!p0 $0x1BF5;
	p2 =	por !p2, p0  }
0x20: {  	[sflag:s8] =	ssyncset.s32 @!p0 $0xFFFFF086;
	s6 =	sadd.s32 @!p0 s3, s7;
	s7 =	simm.s32 @!p0 $0x108  }
0x21: {  	s3 =	sadd.s32 s3, s9;
	s6 =	sadd.s32 @!p0 $0x88, s6;
	s7 =	simm.s32 @p2 $0x1082  }
0x22: {  	[simem:s7], [sflag:s8] =	dma.local @!p0 [hbm:s6], $0xF7A  }
0x23: {  	s9 =	sor.u32 $0xD0000000, s2;
	s6 =	simm.s32 $0x108;
	_ =	swait.ge @!p0 [sflag:s8], $0x0  }
0x24: {  	s3 =	sadd.s32 $0x88, s3;
	s6 =	simm.s32 @!p1 $0x1082;
	[sflag:s4] =	ssyncset.s32 $0xFFFFF086  }
0x25: {  	[simem:s6], [sflag:s4] =	dma.local [hbm:s3], $0xF7A  }
0x26: {  	[smem:$0x3F9A] =	sst s1;
	(tag) =	ssettag s2;
	_ =	strace s9  }
0x27: {  	s1 =	sld [smem:$0x3FAA]  }
0x28: {  	s2 =	sld [smem:$0x3FAB]  }
0x29: {  	s4 =	sld [smem:$0x3FAD]  }
0x2a: {  	p0 =	seq.s32 s5, $0x0;
	s5 =	sld [smem:$0x3FAE]  }
0x2b: {  	s6 =	sld [smem:$0x3FAF]  }
0x2c: {  	s7 =	sld [smem:$0x3FB0]  }
0x2d: {  	s3 =	simm.s32 $0x108;
	s8 =	sld [smem:$0x3FB1]  }
0x2e: {  	s3 =	simm.s32 @!p0 $0x1082;
	s9 =	sld [smem:$0x3FB2]  }
0x2f: {  	lr =	sadd.s32 s0, s3;
	s0 =	sld [smem:$0x3FA9]  }
0x30: {  	s3 =	sld [smem:$0x3FAC]  }
0x31: {  	[smem:$0x3FB5] =	sst s10  }
0x32: {  	s10 =	sld [smem:$0x3FB3];
	_ =	sdelay $0x3  }
0x33: {  	p0 =	seq.s32 s10, $0x1;
	s10 =	sld [smem:$0x3FB5];
	_ =	sdelay $0x3  }
0x34: {  	[smem:$0x3FB5] =	sst s10  }
0x35: {  	s10 =	sld [smem:$0x3FB4];
	_ =	sdelay $0x3  }
0x36: {  	p1 =	seq.s32 s10, $0x1;
	s10 =	sld [smem:$0x3FB5];
	_ =	sdelay $0x3  }
0x37: {  	[smem:$0x3FB5] =	sst s10  }
0x38: {  	s10 =	sld [smem:$0x3FB6]  }
0x39: {  	_ = 	snop;
	(pc) =	sbr.ind lr, $3  }
0x3a: {  	_ = 	snop  }
0x3b: {  	_ = 	snop  }
0x3c: {  	p2 =	seq.s32 s10, $0x1;
	s10 =	sld [smem:$0x3FB5]  }
0x3d: {  	_ =	shalt  }
0x3e: {  	_ =	shalt  }
0x3f: {  	_ =	shalt  }
0x40: {  	_ =	shalt  }
0x41: {  	_ =	shalt  }
0x42: {  	_ =	shalt  }
0x43: {  	_ =	shalt  }
0x44: {  	_ =	shalt  }
0x45: {  	_ =	shalt  }
0x46: {  	_ =	shalt  }
0x47: {  	_ =	shalt  }
0x48: {  	_ =	shalt  }
0x49: {  	_ =	shalt  }
0x4a: {  	_ =	shalt  }
0x4b: {  	_ =	shalt  }
0x4c: {  	_ =	shalt  }
0x4d: {  	_ =	shalt  }
0x4e: {  	_ =	shalt  }
0x4f: {  	_ =	shalt  }
0x50: {  	_ =	shalt  }
0x51: {  	_ =	shalt  }
0x52: {  	_ =	shalt  }
0x53: {  	_ =	shalt  }
0x54: {  	_ =	shalt  }
0x55: {  	_ =	shalt  }
0x56: {  	_ =	shalt  }
0x57: {  	_ =	shalt  }
0x58: {  	_ =	shalt  }
0x59: {  	_ =	shalt  }
0x5a: {  	_ =	shalt  }
0x5b: {  	_ =	shalt  }
0x5c: {  	_ =	shalt  }
0x5d: {  	_ =	shalt  }
0x5e: {  	_ =	shalt  }
0x5f: {  	_ =	shalt  }
0x60: {  	_ =	shalt  }
0x61: {  	_ =	shalt  }
0x62: {  	_ =	shalt  }
0x63: {  	_ =	shalt  }
0x64: {  	_ =	shalt  }
0x65: {  	_ =	shalt  }
0x66: {  	_ =	shalt  }
0x67: {  	_ =	shalt  }
0x68: {  	_ =	shalt  }
0x69: {  	_ =	shalt  }
0x6a: {  	_ =	shalt  }
0x6b: {  	_ =	shalt  }
0x6c: {  	_ =	shalt  }
0x6d: {  	_ =	shalt  }
0x6e: {  	_ =	shalt  }
0x6f: {  	_ =	shalt  }
0x70: {  	_ =	shalt  }
0x71: {  	_ =	shalt  }
0x72: {  	_ =	shalt  }
0x73: {  	_ =	shalt  }
0x74: {  	_ =	shalt  }
0x75: {  	_ =	shalt  }
0x76: {  	_ =	shalt  }
0x77: {  	_ =	shalt  }
0x78: {  	_ =	shalt  }
0x79: {  	_ =	shalt  }
0x7a: {  	_ =	shalt  }
0x7b: {  	_ =	shalt  }
0x7c: {  	_ =	shalt  }
0x7d: {  	_ =	shalt  }
0x7e: {  	_ =	shalt  }
0x7f: {  	_ =	shalt  }
0x80: {  	_ =	shalt  }
0x81: {  	_ =	shalt  }
0x82: {  	_ =	shalt  }
0x83: {  	_ =	shalt  }
0x84: {  	_ =	shalt  }
0x85: {  	_ =	shalt  }
0x86: {  	_ =	shalt  }
0x87: {  	_ =	shalt  }
.Lfunc_end0:
.L_simem_size_0:
called_computation_lowered:
.L_overlay_start_0:
0x88: {  	s2 =	sld [smem:$0x3FD9]  }
0x89: {  	s3 =	sld [smem:$0x3FFE];
	_ =	sdelay $0x1  }
0x8a: {  	s1 =	srdreg.scid  }
0x8b: {  	s0 =	sand.u32 $0x1, s1  }
0x8c: {  	s14 =	sshll.u32 s0, $0xA;
	s2 =	sadd.s32 s3, s2  }
0x8d: {  	s2 =	sadd.s32 s2, s14  }
0x8e: {  	[smem:$0x3FC1] =	sst s2  }
0x8f: {  	_ = 	snop  }
0x90: {  	s2 =	sld [smem:$0x3FD0];
	_ =	sdelay $0x2  }
0x91: {  	s15 =	simm.s32 $0xA;
	s4 =	simm.s32 $0x10  }
0x92: {  	[smem:s4], [sflag:s15] =	dma.local [hbm:s2], $0x1  }
0x93: {  	_ =	swait.eq [sflag:s15], $0x1  }
0x94: {  	[sflag:s15] =	ssyncset.done $0x0  }
0x95: {  	s16 =	sld [smem:$0x10];
	[sflag:s15] =	ssyncadd.s32 $0xFFFFFFFF  }
0x96: {  	s17 =	sld [smem:$0x11];
	(tm) =	ssettm $0x1  }
0x97: {  	s18 =	sld [smem:$0x3FFB];
	_ =	sdelay $0x3  }
0x98: {  	_ =	strace s18  }
0x99: {  	s4 =	sld [smem:$0x3FFC];
	_ =	sdelay $0x3  }
0x9a: {  	_ =	strace s4  }
0x9b: {  	s4 =	sld [smem:$0x3FFD];
	_ =	sdelay $0x3  }
0x9c: {  	_ =	strace s4  }
0x9d: {  	_ =	strace $0x8FFFFFFF  }
0x9e: {  	s19 =	sld [smem:$0x3FDB];
	_ =	sdelay $0x1  }
0x9f: {  	s5 =	simm.s32 $_scs_section_size  }
0xa0: {  	s6 =	simm.s32 $_size__tile_overlayer_lowered;
	s7 =	simm.s32 $_tile_overlayer_lowered  }
0xa1: {  	s22 =	simm.s32 $0x1BFF;
	s21 =	sshll.u32 s7, $0x1;
	s4 =	sadd.s32 s5, s19  }
0xa2: {  	s8 =	simm.s32 $0x0;
	s20 =	sshll.u32 s6, $0x1;
	s6 =	sadd.s32 s21, s4  }
0xa3: {  	[timem:s8], [sflag:s22] =	dma.local [hbm:s6], s20  }
0xa4: {  	_ =	swait.ge [sflag:s22], s20  }
0xa5: {  	s5 =	ssub.s32 $0x0, s20;
	[sflag:s22] =	ssyncset.done $0x0  }
0xa6: {  	[sflag:s22] =	ssyncadd.s32 s5;
	_ =	sdelay $0x1  }
0xa7: {  	s23 =	simm.s32 $0x1B8B  }
0xa8: {  	_ =	swait.ge [sflag:s23], $0x1  }
0xa9: {  	[sflag:s23] =	ssyncset.done $0x0  }
0xaa: {  	s25 =	simm.s32 $0x1B8E;
	s24 =	sld [smem:$0x3FFE];
	[sflag:s23] =	ssyncadd.s32 $0xFFFFFFFF  }
0xab: {  	s26 =	simm.s32 $execute0_lowered;
	[smem:$0x3FD2] =	sst s25  }
0xac: {  	s6 =	sshll.u32 s26, $0x1;
	_ =	strace $0x80000046;
	[dreg:$0x1] =	wrdreg $0xFFFFFFFF  }
0xad: {  	s28 =	simm.s32 $_size_execute0_lowered;
	s4 =	sadd.s32 s4, s6;
	[dreg:$0x0] =	wrdreg $0x0  }
0xae: {  	s6 =	sshll.u32 s28, $0x1;
	[dreg:$0x2] =	wrdreg s4  }
0xaf: {  	[dreg:$0x3] =	wrdreg s6  }
0xb0: {  	[dreg:$0x4] =	wrdreg $0xC0  }
0xb1: {  	_ =	task [dreg:s8], $0x5FFFF  }
0xb2: {  	[dreg:$0x1] =	wrdreg $0xFFFFFFFF  }
0xb3: {  	[dreg:$0x0] =	wrdreg $0x60  }
0xb4: {  	[dreg:$0x2] =	wrdreg s16  }
0xb5: {  	[dreg:$0x3] =	wrdreg s24  }
0xb6: {  	[dreg:$0x4] =	wrdreg s17  }
0xb7: {  	[dreg:$0x5] =	wrdreg $0x9  }
0xb8: {  	_ =	task.clear_ibuf [dreg:s8], $0x6FFFF;
	_ =	strace $0x90000046  }
0xb9: {  	s29 =	simm.s32 $0x9;
	_ =	strace $0x80000048  }
0xba: {  	_ =	swait.ge [sflag:s29], $0x1  }
0xbb: {  	[sflag:s29] =	ssyncadd.s32 $0xFFFFFFFF  }
0xbc: {  	_ =	strace $0x90000048  }
0xbd: {  	_ =	sfence  }
0xbe: {  	s30 =	sld [smem:$0x0];
	_ =	sdelay $0x2  }
0xbf: {  	s31 =	sshll.u32 s1, $0xD;
	s1 =	sshrl.u32 s1, $0x2  }
0xc0: {  	s3 =	sand.u32 $0x4000, s31;
	s1 =	sadd.s32 s1, s30  }
0xc1: {  	s0 =	sor.u32 s3, s0;
	s1 =	sshll.u32 s1, $0x11  }
0xc2: {  	s0 =	sor.u32 s1, s0  }
0xc3: {  	s0 =	sadd.s32 $0x8F2B, s0  }
0xc4: {  	[sflag:s0] =	ssyncadd.remote.s32 $0x1  }
0xc5: {  	_ =	sfence.sel $0xFFFF  }
0xc6: {  	[dreg:$0x0] =	wrdreg $0xFFFFFFFF;
	(pc) =	sbr.abs _section_cstart, $3  }
0xc7: {  	[dreg:$0x1] =	wrdreg $0xFFFFFFFF  }
0xc8: {  	_ =	task.clear_ibuf [dreg:s8], $0x2FFFF;
	_ =	strace $0x9FFFFFFF  }
0xc9: {  	(tm) =	ssettm $0x7FFFFFFF  }
tec
execute0_lowered:
.L_overlay_start_1:
0x0: {  	(tag) =	ssettag $0x1  }
0x1: {  	s3 =	rddreg [dreg:$0x0]  }
0x2: {  	s4 =	rddreg [dreg:$0x1]  }
0x3: {  	s5 =	rddreg [dreg:$0x2]  }
0x4: {  	s0 =	rddreg [dreg:$0x3];
	s1 =	simm.s32 $0x0;
	s2 =	srdreg.scid  }
0x5: {  	[smem:$0x7FF] =	sst s1;
	s6 =	sand.u32 $0x1, s2;
	s2 =	stileid.u32  }
0x6: {  	_ =	strace $0x80000047;
	s7 =	sshll.u32 s6, $0xA;
	s8 =	ssub.s32 $0x2, s6  }
0x7: {  	s10 =	sshll.u32 s2, $0x10;
	s6 =	sshll.u32 s6, $0x14;
	s9 =	sshrl.u32 s8, $0x1  }
0x8: {  	s4 =	sadd.s32 s7, s4;
	s6 =	sor.u32 s10, s6;
	s3 =	sadd.s32 s3, s7  }
0x9: {  	v0 =	vmov s10;
	s7 =	simm.s32 $0x1;
	s10 =	simm.s32 $0x0;
	s8 =	ssub.s32 s8, s9  }
0xa: {  	s4 =	sadd.s32 $0xA00, s4;
	s6 =	sshrl.u32 s6, $0x3;
	v0 =	vsub.s32 $0x0, v0;
	s9 =	simm.s32 $0x4000  }
0xb: {  	v1 =	vimm.s32 $0x0;
	v2 =	vimm.s32 $0x1;
	s5 =	sadd.s32 s5, s6;
	s6 =	smax.u32 s8, $0x1;
	v0 =	vbroadcast v0, $0x0;
	s8 =	simm.s32 $0x2000  }
.LBB2_1:
0xc: {  	s11 =	sand.u32 $0xF000, s1;
	s12 =	sand.u32 $0x300, s1  }
0xd: {  	s11 =	sor.u32 s12, s11  }
0xe: {  	[tilespmem:s11+$0x4080] =	vst v1  }
0xf: {  	[tilespmem:s11+$0x4090] =	vst v1  }
0x10: {  	[tilespmem:s11+$0x40A0] =	vst v1  }
0x11: {  	[tilespmem:s11+$0x40B0] =	vst v1  }
0x12: {  	[tilespmem:s11+$0x40C0] =	vst v1  }
0x13: {  	[tilespmem:s11+$0x40D0] =	vst v1  }
0x14: {  	[tilespmem:s11+$0x40E0] =	vst v1  }
0x15: {  	[tilespmem:s11+$0x40F0] =	vst v1  }
0x16: {  	[tilespmem:s11+$0x4480] =	vst v1  }
0x17: {  	[tilespmem:s11+$0x4490] =	vst v1  }
0x18: {  	[tilespmem:s11+$0x44A0] =	vst v1  }
0x19: {  	[tilespmem:s11+$0x44B0] =	vst v1  }
0x1a: {  	[tilespmem:s11+$0x44C0] =	vst v1  }
0x1b: {  	[tilespmem:s11+$0x44D0] =	vst v1  }
0x1c: {  	[tilespmem:s11+$0x44E0] =	vst v1  }
0x1d: {  	[tilespmem:s11+$0x44F0] =	vst v1  }
0x1e: {  	[tilespmem:s11+$0x4880] =	vst v1  }
0x1f: {  	[tilespmem:s11+$0x4890] =	vst v1  }
0x20: {  	[tilespmem:s11+$0x48A0] =	vst v1  }
0x21: {  	[tilespmem:s11+$0x48B0] =	vst v1  }
0x22: {  	[tilespmem:s11+$0x48C0] =	vst v1  }
0x23: {  	[tilespmem:s11+$0x48D0] =	vst v1  }
0x24: {  	[tilespmem:s11+$0x48E0] =	vst v1  }
0x25: {  	[tilespmem:s11+$0x48F0] =	vst v1  }
0x26: {  	[tilespmem:s11+$0x4000] =	vst v1  }
0x27: {  	[tilespmem:s11+$0x4010] =	vst v1  }
0x28: {  	[tilespmem:s11+$0x4020] =	vst v1  }
0x29: {  	[tilespmem:s11+$0x4030] =	vst v1  }
0x2a: {  	[tilespmem:s11+$0x4040] =	vst v1  }
0x2b: {  	[tilespmem:s11+$0x4050] =	vst v1  }
0x2c: {  	[tilespmem:s11+$0x4060] =	vst v1  }
0x2d: {  	[tilespmem:s11+$0x4070] =	vst v1  }
0x2e: {  	[tilespmem:s11+$0x4400] =	vst v1  }
0x2f: {  	[tilespmem:s11+$0x4410] =	vst v1  }
0x30: {  	[tilespmem:s11+$0x4420] =	vst v1  }
0x31: {  	[tilespmem:s11+$0x4430] =	vst v1  }
0x32: {  	[tilespmem:s11+$0x4440] =	vst v1  }
0x33: {  	[tilespmem:s11+$0x4450] =	vst v1  }
0x34: {  	[tilespmem:s11+$0x4460] =	vst v1  }
0x35: {  	[tilespmem:s11+$0x4470] =	vst v1  }
0x36: {  	s19 =	sand.u32 $0x3, s1;
	[tilespmem:s11+$0x4800] =	vst v1  }
0x37: {  	s12 =	sshll.u32 s19, $0x8;
	[tilespmem:s11+$0x4810] =	vst v1  }
0x38: {  	s12 =	sadd.s32 $0x0, s12;
	[tilespmem:s11+$0x4820] =	vst v1  }
0x39: {  	[tilespmem:s11+$0x4830] =	vst v1;
	s13 =	sadd.s32 $0x80, s12;
	s26 =	sor.u32 $0xC00, s12  }
0x3a: {  	s14 =	sor.u32 $0xC00, s13;
	[tilespmem:s26+$0x4000] =	vst v1  }
0x3b: {  	[tilespmem:s14+$0x4000] =	vst v1  }
0x3c: {  	[tilespmem:s11+$0x4840] =	vst v1  }
0x3d: {  	[tilespmem:s11+$0x4850] =	vst v1  }
0x3e: {  	[tilespmem:s11+$0x4860] =	vst v1  }
0x3f: {  	s20 =	sor.u32 $0xC10, s13;
	[tilespmem:s11+$0x4870] =	vst v1  }
0x40: {  	s28 =	sor.u32 $0xC10, s12;
	[tilespmem:s20+$0x4000] =	vst v1  }
0x41: {  	s21 =	sor.u32 $0xC20, s13;
	[tilespmem:s28+$0x4000] =	vst v1  }
0x42: {  	s29 =	sor.u32 $0xC20, s12;
	[tilespmem:s21+$0x4000] =	vst v1  }
0x43: {  	s22 =	sor.u32 $0xC30, s13;
	[tilespmem:s29+$0x4000] =	vst v1  }
0x44: {  	s30 =	sor.u32 $0xC30, s12;
	[tilespmem:s22+$0x4000] =	vst v1  }
0x45: {  	s23 =	sor.u32 $0xC40, s13;
	[tilespmem:s30+$0x4000] =	vst v1  }
0x46: {  	s31 =	sor.u32 $0xC40, s12;
	[tilespmem:s23+$0x4000] =	vst v1  }
0x47: {  	s24 =	sor.u32 $0xC50, s13;
	[tilespmem:s31+$0x4000] =	vst v1  }
0x48: {  	s15 =	sor.u32 $0xC50, s12;
	[tilespmem:s24+$0x4000] =	vst v1  }
0x49: {  	s17 =	sor.u32 $0xC60, s12;
	s25 =	sor.u32 $0xC60, s13;
	[tilespmem:s15+$0x4000] =	vst v1  }
0x4a: {  	s16 =	sor.u32 $0xC70, s12;
	s12 =	simm.s32 $0x100;
	s13 =	sor.u32 $0xC70, s13;
	[tilespmem:s25+$0x4000] =	vst v1  }
0x4b: {  	s11 =	simm.s32 $0x0;
	s14 =	simm.s32 $0x0;
	[tilespmem:s13+$0x4000] =	vst v1;
	s13 =	simm.s32 $0x400  }
.LBB2_2:
0x4c: {  	s15 =	sand.u32 $0xF000, s13;
	s18 =	sand.u32 $0x300, s12;
	[tilespmem:s17+$0x4000] =	vst v1  }
0x4d: {  	s15 =	sor.u32 s18, s15;
	[tilespmem:s16+$0x4000] =	vst v1  }
0x4e: {  	[tilespmem:s15+$0x4080] =	vst v1  }
0x4f: {  	[tilespmem:s15+$0x4090] =	vst v1  }
0x50: {  	[tilespmem:s15+$0x40A0] =	vst v1  }
0x51: {  	[tilespmem:s15+$0x40B0] =	vst v1  }
0x52: {  	[tilespmem:s15+$0x40C0] =	vst v1  }
0x53: {  	[tilespmem:s15+$0x40D0] =	vst v1  }
0x54: {  	[tilespmem:s15+$0x40E0] =	vst v1  }
0x55: {  	[tilespmem:s15+$0x40F0] =	vst v1  }
0x56: {  	[tilespmem:s15+$0x4480] =	vst v1  }
0x57: {  	[tilespmem:s15+$0x4490] =	vst v1  }
0x58: {  	[tilespmem:s15+$0x44A0] =	vst v1  }
0x59: {  	[tilespmem:s15+$0x44B0] =	vst v1  }
0x5a: {  	[tilespmem:s15+$0x44C0] =	vst v1  }
0x5b: {  	[tilespmem:s15+$0x44D0] =	vst v1  }
0x5c: {  	[tilespmem:s15+$0x44E0] =	vst v1  }
0x5d: {  	[tilespmem:s15+$0x44F0] =	vst v1  }
0x5e: {  	[tilespmem:s15+$0x4880] =	vst v1  }
0x5f: {  	[tilespmem:s15+$0x4890] =	vst v1  }
0x60: {  	s14 =	sadd.s32 $0x1, s14;
	[tilespmem:s15+$0x48A0] =	vst v1  }
0x61: {  	s16 =	sand.u32 $0x3, s14;
	[tilespmem:s15+$0x48B0] =	vst v1  }
0x62: {  	s16 =	sshll.u32 s16, $0x8;
	[tilespmem:s15+$0x48C0] =	vst v1  }
0x63: {  	s16 =	sadd.s32 s16, s13;
	[tilespmem:s15+$0x48D0] =	vst v1  }
0x64: {  	s23 =	sor.u32 $0xC00, s16;
	s18 =	sor.u32 $0xC10, s16;
	s24 =	sadd.s32 $0x80, s16;
	[tilespmem:s15+$0x48E0] =	vst v1  }
0x65: {  	s20 =	sor.u32 $0xC20, s16;
	s19 =	sor.u32 $0xC30, s16;
	s17 =	sor.u32 $0xC00, s24;
	[tilespmem:s15+$0x48F0] =	vst v1  }
0x66: {  	s22 =	sor.u32 $0xC40, s16;
	s21 =	sor.u32 $0xC50, s16;
	s25 =	sor.u32 $0xC10, s24;
	[tilespmem:s17+$0x4000] =	vst v1  }
0x67: {  	s17 =	sor.u32 $0xC60, s16;
	s16 =	sor.u32 $0xC70, s16;
	[tilespmem:s25+$0x4000] =	vst v1;
	s25 =	sor.u32 $0xC20, s24  }
0x68: {  	s11 =	sadd.s32 $0x2, s11;
	[tilespmem:s25+$0x4000] =	vst v1;
	s25 =	sor.u32 $0xC30, s24  }
0x69: {  	p0 =	slt.u32 s11, $0x7E;
	[tilespmem:s25+$0x4000] =	vst v1;
	s25 =	sor.u32 $0xC40, s24  }
0x6a: {  	[tilespmem:s25+$0x4000] =	vst v1;
	s25 =	sor.u32 $0xC50, s24  }
0x6b: {  	[tilespmem:s25+$0x4000] =	vst v1;
	s25 =	sor.u32 $0xC60, s24  }
0x6c: {  	s24 =	sor.u32 $0xC70, s24;
	[tilespmem:s25+$0x4000] =	vst v1  }
0x6d: {  	[tilespmem:s24+$0x4000] =	vst v1  }
0x6e: {  	[tilespmem:s15+$0x4000] =	vst v1  }
0x6f: {  	[tilespmem:s15+$0x4010] =	vst v1  }
0x70: {  	[tilespmem:s15+$0x4020] =	vst v1  }
0x71: {  	[tilespmem:s15+$0x4030] =	vst v1  }
0x72: {  	[tilespmem:s15+$0x4040] =	vst v1  }
0x73: {  	[tilespmem:s15+$0x4050] =	vst v1  }
0x74: {  	[tilespmem:s15+$0x4060] =	vst v1  }
0x75: {  	[tilespmem:s15+$0x4070] =	vst v1  }
0x76: {  	[tilespmem:s15+$0x4400] =	vst v1  }
0x77: {  	[tilespmem:s15+$0x4410] =	vst v1  }
0x78: {  	[tilespmem:s15+$0x4420] =	vst v1  }
0x79: {  	[tilespmem:s15+$0x4430] =	vst v1  }
0x7a: {  	[tilespmem:s15+$0x4440] =	vst v1  }
0x7b: {  	[tilespmem:s15+$0x4450] =	vst v1  }
0x7c: {  	[tilespmem:s15+$0x4460] =	vst v1  }
0x7d: {  	[tilespmem:s15+$0x4470] =	vst v1  }
0x7e: {  	[tilespmem:s15+$0x4800] =	vst v1  }
0x7f: {  	[tilespmem:s15+$0x4810] =	vst v1  }
0x80: {  	[tilespmem:s15+$0x4820] =	vst v1  }
0x81: {  	[tilespmem:s15+$0x4830] =	vst v1  }
0x82: {  	[tilespmem:s23+$0x4000] =	vst v1  }
0x83: {  	[tilespmem:s15+$0x4840] =	vst v1  }
0x84: {  	[tilespmem:s15+$0x4850] =	vst v1  }
0x85: {  	[tilespmem:s15+$0x4860] =	vst v1  }
0x86: {  	[tilespmem:s15+$0x4870] =	vst v1  }
.Ltmp0:
0x87: {  	[tilespmem:s18+$0x4000] =	vst v1;
	(pc) =	sbr.rel @p0 .LBB2_2-.Ltmp0, $4  }
0x88: {  	[tilespmem:s20+$0x4000] =	vst v1  }
0x89: {  	[tilespmem:s19+$0x4000] =	vst v1  }
0x8a: {  	[tilespmem:s22+$0x4000] =	vst v1  }
0x8b: {  	s12 =	sadd.s32 $0x100, s12;
	s13 =	sadd.s32 $0x400, s13;
	[tilespmem:s21+$0x4000] =	vst v1  }
0x8c: {  	[tilespmem:s17+$0x4000] =	vst v1  }
0x8d: {  	[tilespmem:s16+$0x4000] =	vst v1  }
0x8e: {  	[tilespmem:s1], [sflag:$0x1] =	stream.linear.gather [hbm4b:s3+s1], $0x2000, $0x38;
	[tilespmem:$0x14000] =	vst v63  }
0x8f: {  	_ =	swait.ge [sflag:s7], $0x2000  }
0x90: {  	[sflag:s7] =	ssyncset.done $0x0  }
0x91: {  	[sflag:s7] =	ssyncadd.s32 $0xFFFFE000  }
0x92: {  	[tilespmem:s8], [sflag:$0x1] =	stream.linear.gather [hbm4b:s4+s1], $0x2000, $0x38;
	[tilespmem:$0x14000] =	vst v63  }
0x93: {  	_ =	swait.ge [sflag:s7], $0x2000  }
0x94: {  	[sflag:s7] =	ssyncset.done $0x0  }
0x95: {  	s12 =	simm.s32 $0x20;
	[sflag:s7] =	ssyncadd.s32 $0xFFFFE000  }
0x96: {  	s11 =	simm.s32 $0x2020;
	v3 =	vld [tilespmem:s12+$0x10]  }
0x97: {  	v4 =	vld [tilespmem:s11+$0x10]  }
0x98: {  	v5 =	vld [tilespmem:s11+$0xFFFFFFE0]  }
0x99: {  	v6 =	vld [tilespmem:s12+$0xFFFFFFF0]  }
0x9a: {  	v7 =	vld [tilespmem:s11+$0xFFFFFFF0]  }
0x9b: {  	v8 =	vld [tilespmem:s12+$0x0]  }
0x9c: {  	v3 =	vshll.u32 v3, $0x9;
	v4 =	vadd.s32 v0, v4  }
0x9d: {  	v9 =	vld [tilespmem:s12+$0xFFFFFFE0];
	v3 =	vadd.s32 v3, v4  }
0x9e: {  	v5 =	vadd.s32 v0, v5;
	v4 =	vld [tilespmem:s11+$0x0];
	vm3 =	vlt.u32 v3, $0x10000  }
0x9f: {  	v6 =	vshll.u32 v6, $0x9;
	v7 =	vadd.s32 v0, v7;
	v3 =	vnsel vm3, $0x0, v3  }
0xa0: {  	v7 =	vadd.s32 v6, v7;
	v6 =	vshll.u32 v8, $0x9;
	v8 =	vshll.u32 v3, $0x3  }
0xa1: {  	v10 =	vshrl.u32 v3, $0x2;
	v3 =	vand.u32 $0xFFFFF07F, v3;
	v8 =	vand.u32 $0xC00, v8  }
0xa2: {  	v9 =	vshll.u32 v9, $0x9;
	v10 =	vand.u32 $0x380, v10;
	v3 =	vor.u32 v8, v3  }
0xa3: {  	v5 =	vadd.s32 v9, v5;
	v4 =	vadd.s32 v0, v4;
	v3 =	vor.u32 v10, v3  }
0xa4: {  	vm2 =	vlt.u32 v5, $0x10000;
	vm0 =	vlt.u32 v7, $0x10000;
	v6 =	vadd.s32 v6, v4  }
0xa5: {  	s13 =	simm.s32 $0x60;
	s12 =	simm.s32 $0x0;
	v5 =	vnsel vm2, $0x0, v5;
	v4 =	vnsel vm0, $0x0, v7;
	vm1 =	vlt.u32 v6, $0x10000  }
.LBB2_4:
0xa6: {  	v7 =	vld [tilespmem:s13+$0x10];
	v8 =	vshll.u32 v5, $0x3;
	v9 =	vshll.u32 v4, $0x3;
	v6 =	vnsel vm1, $0x0, v6;
	s11 =	sadd.s32 $0x40, s11  }
0xa7: {  	s12 =	sadd.s32 $0x40, s12;
	v10 =	vld [tilespmem:s11+$0x10];
	v8 =	vand.u32 $0xC00, v8;
	v9 =	vand.u32 $0xC00, v9;
	v11 =	vshll.u32 v6, $0x3  }
0xa8: {  	v13 =	vshrl.u32 v5, $0x2;
	v5 =	vand.u32 $0xFFFFF07F, v5;
	p0 =	slt.u32 s12, $0x1FC0;
	v12 =	vld [tilespmem:s11+$0xFFFFFFE0];
	v11 =	vand.u32 $0xC00, v11;
	[tilespmem:v3+s9+$0x0] =	vst.idx.msk vm3, v2  }
0xa9: {  	v14 =	vshrl.u32 v4, $0x2;
	v4 =	vand.u32 $0xFFFFF07F, v4;
	v15 =	vshrl.u32 v6, $0x2;
	v3 =	vld [tilespmem:s13+$0xFFFFFFF0]  }
0xaa: {  	v6 =	vand.u32 $0xFFFFF07F, v6;
	v5 =	vor.u32 v8, v5;
	v4 =	vor.u32 v9, v4;
	v16 =	vld [tilespmem:s11+$0xFFFFFFF0]  }
0xab: {  	v9 =	vand.u32 $0x380, v13;
	v13 =	vand.u32 $0x380, v14;
	v6 =	vor.u32 v11, v6;
	v8 =	vld [tilespmem:s13+$0x0]  }
0xac: {  	v14 =	vand.u32 $0x380, v15;
	v7 =	vshll.u32 v7, $0x9;
	v11 =	vld [tilespmem:s11+$0x0];
	v10 =	vadd.s32 v0, v10  }
0xad: {  	v5 =	vor.u32 v9, v5;
	v15 =	vld [tilespmem:s13+$0xFFFFFFE0];
	v12 =	vadd.s32 v0, v12;
	v7 =	vadd.s32 v7, v10  }
0xae: {  	v4 =	vor.u32 v13, v4;
	v3 =	vshll.u32 v3, $0x9;
	vm3 =	vlt.u32 v7, $0x10000  }
0xaf: {  	v10 =	vor.u32 v14, v6;
	v9 =	vadd.s32 v0, v16;
	v7 =	vnsel vm3, $0x0, v7  }
0xb0: {  	v9 =	vadd.s32 v3, v9;
	v6 =	vshll.u32 v8, $0x9;
	v3 =	vshll.u32 v7, $0x3  }
.Ltmp1:
0xb1: {  	v8 =	vshrl.u32 v7, $0x2;
	v7 =	vand.u32 $0xFFFFF07F, v7;
	v3 =	vand.u32 $0xC00, v3;
	(pc) =	sbr.rel @p0 .LBB2_4-.Ltmp1, $4  }
0xb2: {  	v8 =	vand.u32 $0x380, v8;
	v13 =	vshll.u32 v15, $0x9;
	v3 =	vor.u32 v3, v7;
	[tilespmem:v5+s9+$0x0] =	vst.idx.msk vm2, v2  }
0xb3: {  	v7 =	vadd.s32 v0, v11;
	v5 =	vadd.s32 v13, v12;
	v3 =	vor.u32 v8, v3  }
0xb4: {  	v6 =	vadd.s32 v6, v7;
	vm2 =	vlt.u32 v5, $0x10000;
	[tilespmem:v4+s9+$0x0] =	vst.idx.msk vm0, v2;
	vm0 =	vlt.u32 v9, $0x10000  }
0xb5: {  	s13 =	sadd.s32 $0x40, s13;
	v5 =	vnsel vm2, $0x0, v5;
	v4 =	vnsel vm0, $0x0, v9;
	[tilespmem:v10+s9+$0x0] =	vst.idx.msk vm1, v2;
	vm1 =	vlt.u32 v6, $0x10000  }
0xb6: {  	v7 =	vshll.u32 v5, $0x3;
	v8 =	vshll.u32 v4, $0x3;
	v6 =	vnsel vm1, $0x0, v6  }
0xb7: {  	v10 =	vshrl.u32 v5, $0x2;
	v60 =	vand.u32 $0xFFFFF07F, v5;
	v61 =	vshrl.u32 v4, $0x2  }
0xb8: {  	v62 =	vand.u32 $0xFFFFF07F, v4;
	v7 =	vand.u32 $0xC00, v7;
	v8 =	vand.u32 $0xC00, v8  }
0xb9: {  	v9 =	vshll.u32 v6, $0x3;
	v63 =	vshrl.u32 v6, $0x2;
	v10 =	vand.u32 $0x380, v10  }
0xba: {  	v6 =	vand.u32 $0xFFFFF07F, v6;
	v9 =	vand.u32 $0xC00, v9;
	v5 =	vor.u32 v7, v60  }
0xbb: {  	v4 =	vor.u32 v8, v62;
	v7 =	vand.u32 $0x380, v61;
	v5 =	vor.u32 v10, v5  }
0xbc: {  	v8 =	vand.u32 $0x380, v63;
	v6 =	vor.u32 v9, v6;
	v4 =	vor.u32 v7, v4  }
0xbd: {  	v6 =	vor.u32 v8, v6;
	_ =	sdelay $0x1  }
0xbe: {  	[tilespmem:v3+s9+$0x0] =	vst.idx.msk vm3, v2  }
0xbf: {  	s10 =	sadd.s32 $0x1, s10;
	[tilespmem:v5+s9+$0x0] =	vst.idx.msk vm2, v2  }
0xc0: {  	p0 =	sne.s32 s10, s6;
	[tilespmem:v4+s9+$0x0] =	vst.idx.msk vm0, v2  }
.Ltmp2:
0xc1: {  	[tilespmem:v6+s9+$0x0] =	vst.idx.msk vm1, v2;
	(pc) =	sbr.rel @p0 .LBB2_1-.Ltmp2, $4  }
0xc2: {  	[hbm4b:s5+s1] =	stream.linear.scatter [tilespmem:s9], [sflag:$0x1], $0x10000, $0x38;
	[tilespmem:$0x14000] =	vst v63  }
0xc3: {  	_ =	swait.ge [sflag:s7], $0x10000  }
0xc4: {  	[sflag:s7] =	ssyncset.done $0x0  }
0xc5: {  	[sflag:s7] =	ssyncadd.s32 $0xFFFF0000  }
0xc6: {  	_ =	sfence.sel $0x180000  }
0xc7: {  	[bflag:$0x0] =	sbarrier.arrive $0xFFFF  }
0xc8: {  	p0 =	sne.s32 s2, $0x0;
	_ =	strace $0x90000047  }
0xc9: {  	s0 =	sadd.s32 @!p0 $0x100000, s0;
	[bflag:$0x2] =	sbarrier.arrive $0xFFFF  }
0xca: {  	[sflag:s0] =	ssyncadd.tile.s32 @!p0 $0x1;
	_ =	shalt  }
.Lfunc_end2:
_tile_overlayer_lowered:
.L_overlay_start_2:
0xcb: {  	(tag) =	ssettag $0x2  }
0xcc: {  	s0 =	rddreg [dreg:$0x0];
	s2 =	stileid.u32  }
0xcd: {  	s1 =	rddreg [dreg:$0x1];
	p0 =	sne.s32 s2, $0x0  }
0xce: {  	s3 =	rddreg [dreg:$0x2];
	[bflag:$0x3] =	sbarrier.arrive $0xFFFF;
	s2 =	simm.s32 @!p0 $0x1C01  }
0xcf: {  	[timem:s3], [sflag:s2] =	dma.local @!p0 [hbm:s0], s1  }
0xd0: {  	s0 =	simm.s32 @!p0 $0x1  }
0xd1: {  	_ =	swait.ge @!p0 [sflag:s0], s1  }
0xd2: {  	s1 =	ssub.s32 @!p0 $0x0, s1;
	[sflag:s0] =	ssyncset.done @!p0 $0x0  }
0xd3: {  	[sflag:s0] =	ssyncadd.s32 @!p0 s1  }
0xd4: {  	[bflag:$0x3] =	sbarrier.arrive $0xFFFF  }
0xd5: {  	_ =	shalt  }

</sc_bundles>
